<compile_context>
chip_gen: v7x
topology: tpu7x:2x2x1
jax: 0.10.2.dev20260603
libtpu: 0.0.44.dev20260713+nightly
codegen_flags: <defaults>
</compile_context>

<pallas_src>
import functools

import jax
import jax.numpy as jnp
import numpy as np
from jax.experimental import pallas as pl
from jax.experimental.pallas import tpu as pltpu


def _fold_idx_conv(O, C, H, W):
    Ho, Wo = H - 1, W - 1
    k = np.arange(C * H * W)
    c, u, v = k // (H * W), (k // W) % H, k % W
    m = np.arange(O * Ho * Wo)
    o, i_, j_ = m // (Ho * Wo), (m // Wo) % Ho, m % Wo
    di = u[:, None] - i_[None, :]
    dj = v[:, None] - j_[None, :]
    mask = (di >= 0) & (di <= 1) & (dj >= 0) & (dj <= 1)
    idx = ((o[None, :] * C + c[:, None]) * 2 + np.clip(di, 0, 1)) * 2 \
        + np.clip(dj, 0, 1)
    return idx.astype(np.int32), mask.astype(np.float32)


def _fold_idx_conv1_pooled(O=16, C=3):
    k = np.arange(C * 64)
    c, u, v = k // 64, (k // 8) % 8, k % 8
    idx = np.zeros((C * 64, 1024), dtype=np.int32)
    mask = np.zeros((C * 64, 1024), dtype=np.float32)
    for wi, (dy, dx) in enumerate([(0, 0), (0, 1), (1, 0), (1, 1)]):
        m = np.arange(O * 9)
        o, pi, pj = m // 9, (m // 3) % 3, m % 3
        i_ = 2 * pi + dy
        j_ = 2 * pj + dx
        di = u[:, None] - i_[None, :]
        dj = v[:, None] - j_[None, :]
        ok = (di >= 0) & (di <= 1) & (dj >= 0) & (dj <= 1)
        ix = ((o[None, :] * C + c[:, None]) * 2 + np.clip(di, 0, 1)) * 2 \
            + np.clip(dj, 0, 1)
        idx[:, 256 * wi:256 * wi + O * 9] = ix
        mask[:, 256 * wi:256 * wi + O * 9] = ok
    return idx, mask


_IDX1, _MASK1 = _fold_idx_conv1_pooled()
_IDX2, _MASK2 = _fold_idx_conv(32, 16, 3, 3)
_IDX3, _MASK3 = _fold_idx_conv(64, 32, 2, 2)


def _enc_kernel(x_ref, w0_ref, b0_ref, a1_ref, c1_ref, a2_ref, c2_ref,
                a3_ref, b3_ref, o_ref):
    x = x_ref[...].astype(jnp.bfloat16)
    h0 = jnp.dot(x, w0_ref[...], preferred_element_type=jnp.float32) \
        + b0_ref[...]
    t = jnp.dot(h0.astype(jnp.bfloat16), a1_ref[...],
                preferred_element_type=jnp.float32)
    m = jnp.maximum(jnp.maximum(t[:, 0:144], t[:, 256:400]),
                    jnp.maximum(t[:, 512:656], t[:, 768:912]))
    p = jnp.maximum(m + c1_ref[...], 0.0)
    h2 = jnp.maximum(
        jnp.dot(p.astype(jnp.bfloat16), a2_ref[...],
                preferred_element_type=jnp.float32) + c2_ref[...], 0.0)
    o_ref[...] = jnp.maximum(
        jnp.dot(h2.astype(jnp.bfloat16), a3_ref[...],
                preferred_element_type=jnp.float32) + b3_ref[...], 0.0)


@functools.partial(jax.jit, static_argnames=("block_b", "interpret"))
def _encode(x, W0, b0, w1, b1, w2, b2, w3, b3, block_b=2048,
            interpret=False):
    B, D = x.shape
    W0t = W0.T.astype(jnp.bfloat16)
    a1 = (w1.ravel()[_IDX1] * _MASK1).astype(jnp.bfloat16)
    a2 = (w2.ravel()[_IDX2] * _MASK2).astype(jnp.bfloat16)
    a3 = (w3.ravel()[_IDX3] * _MASK3).astype(jnp.bfloat16)
    c1 = jnp.repeat(b1, 9).reshape(1, 144)
    c2 = jnp.repeat(b2, 4).reshape(1, 128)

    nb = B // block_b
    full = lambda *s: pl.BlockSpec(s, lambda i: (0,) * len(s))
    out = pl.pallas_call(
        _enc_kernel,
        grid=(nb,),
        in_specs=[
            pl.BlockSpec((block_b, D), lambda i: (i, 0)),
            full(D, 192),
            full(1, 192),
            full(192, 1024),
            full(1, 144),
            full(144, 128),
            full(1, 128),
            full(128, 64),
            full(1, 64),
        ],
        out_specs=pl.BlockSpec((block_b, 64), lambda i: (i, 0)),
        out_shape=jax.ShapeDtypeStruct((B, 64), jnp.float32),
        compiler_params=pltpu.CompilerParams(
            dimension_semantics=("parallel",),
            vmem_limit_bytes=100 * 1024 * 1024),
        interpret=interpret,
    )(x, W0t, b0.reshape(1, -1), a1, c1, a2, c2, a3, b3.reshape(1, -1))
    return out.reshape(B, 64, 1, 1)


def kernel(x, W0, b0, w1, b1, w2, b2, w3, b3):
    return _encode(x, W0, b0, w1, b1, w2, b2, w3, b3)

# --- scband reference (transcript-rebuilt; emitter-appended) ---
"""Pipeline reference for scband-random-encoder-80977313399742 (READ-ONLY COPY).

The authoritative reference and input builder live on the scoring server;
editing this copy changes nothing except your own understanding.
"""

import jax, jax.numpy as jnp
import numpy as np


def _conv(x, w, b):
    y = jax.lax.conv_general_dilated(
        x, w, window_strides=(1, 1), padding='VALID',
        dimension_numbers=('NCHW', 'OIHW', 'NCHW'))
    return y + b[None, :, None, None]


def _maxpool2x2(x):
    return jax.lax.reduce_window(
        x, -jnp.inf, jax.lax.max,
        window_dimensions=(1, 1, 2, 2),
        window_strides=(1, 1, 2, 2),
        padding='VALID')


def setup_inputs(seed: int = 0) -> dict:
    key = jax.random.key(seed)
    ks = jax.random.split(key, 10)
    B, D = 16384, 512
    x = jax.random.normal(ks[0], (B, D), dtype=jnp.float32)
    # fc0: Linear(D, 192)
    W0 = jax.random.normal(ks[1], (192, D), dtype=jnp.float32) * (1.0 / np.sqrt(D))
    b0 = jnp.zeros((192,), dtype=jnp.float32)
    # frozen conv stack, params ~ N(0, 0.1) as in torch init
    w1 = jax.random.normal(ks[2], (16, 3, 2, 2), dtype=jnp.float32) * 0.1
    b1 = jax.random.normal(ks[3], (16,), dtype=jnp.float32) * 0.1
    w2 = jax.random.normal(ks[4], (32, 16, 2, 2), dtype=jnp.float32) * 0.1
    b2 = jax.random.normal(ks[5], (32,), dtype=jnp.float32) * 0.1
    w3 = jax.random.normal(ks[6], (64, 32, 2, 2), dtype=jnp.float32) * 0.1
    b3 = jax.random.normal(ks[7], (64,), dtype=jnp.float32) * 0.1
    return {"x": x, "W0": W0, "b0": b0, "w1": w1, "b1": b1,
            "w2": w2, "b2": b2, "w3": w3, "b3": b3}


def reference(x, W0, b0, w1, b1, w2, b2, w3, b3):
    h = x @ W0.T + b0              # fc0
    h = h.reshape(-1, 3, 8, 8)     # .reshape(-1,3,8,8).squeeze() is a no-op for B>1
    h = h.astype(w1.dtype)
    h = jax.nn.relu(_conv(h, w1, b1))   # Conv2d(3,16,2) -> [B,16,7,7]
    h = _maxpool2x2(h)                  # MaxPool2d(2)   -> [B,16,3,3]
    h = jax.nn.relu(_conv(h, w2, b2))   # Conv2d(16,32,2)-> [B,32,2,2]
    h = jax.nn.relu(_conv(h, w3, b3))   # Conv2d(32,64,2)-> [B,64,1,1]
    return h

if __name__ == "__main__":
    import jax
    _d = setup_inputs()
    print(jax.jit(kernel)(*tuple(_d.values())))

</pallas_src>

<mosaic_0001>
module attributes {stable_mosaic.version = 14 : i64} {
  func.func @_enc_kernel(%arg0: i32, %arg1: memref<2048x512xf32, #tpu.memory_space<vmem>>, %arg2: memref<512x192xbf16, #tpu.memory_space<vmem>>, %arg3: memref<1x192xf32, #tpu.memory_space<vmem>>, %arg4: memref<192x1024xbf16, #tpu.memory_space<vmem>>, %arg5: memref<1x144xf32, #tpu.memory_space<vmem>>, %arg6: memref<144x128xbf16, #tpu.memory_space<vmem>>, %arg7: memref<1x128xf32, #tpu.memory_space<vmem>>, %arg8: memref<128x64xbf16, #tpu.memory_space<vmem>>, %arg9: memref<1x64xf32, #tpu.memory_space<vmem>>, %arg10: memref<2048x64xf32, #tpu.memory_space<vmem>>) attributes {dimension_semantics = [#tpu.dimension_semantics<parallel>], iteration_bounds = array<i64: 8>, scalar_prefetch = 0 : i64, scratch_operands = 0 : i64, tpu.core_type = #tpu.core_type<tc>, window_params = [{transform_indices = @transform_0, window_bounds = array<i64: 2048, 512>}, {pipeline_mode = #tpu.pipeline_mode<synchronous>, transform_indices = @transform_1, window_bounds = array<i64: 512, 192>}, {pipeline_mode = #tpu.pipeline_mode<synchronous>, transform_indices = @transform_2, window_bounds = array<i64: 1, 192>}, {pipeline_mode = #tpu.pipeline_mode<synchronous>, transform_indices = @transform_3, window_bounds = array<i64: 192, 1024>}, {pipeline_mode = #tpu.pipeline_mode<synchronous>, transform_indices = @transform_4, window_bounds = array<i64: 1, 144>}, {pipeline_mode = #tpu.pipeline_mode<synchronous>, transform_indices = @transform_5, window_bounds = array<i64: 144, 128>}, {pipeline_mode = #tpu.pipeline_mode<synchronous>, transform_indices = @transform_6, window_bounds = array<i64: 1, 128>}, {pipeline_mode = #tpu.pipeline_mode<synchronous>, transform_indices = @transform_7, window_bounds = array<i64: 128, 64>}, {pipeline_mode = #tpu.pipeline_mode<synchronous>, transform_indices = @transform_8, window_bounds = array<i64: 1, 64>}, {transform_indices = @transform_9, window_bounds = array<i64: 2048, 64>}]} {
    %get3A = arith.constant 0 : index
    %get3A_0 = arith.constant 0 : index
    %get3A_1 = vector.load %arg1[%get3A, %get3A_0] : memref<2048x512xf32, #tpu.memory_space<vmem>>, vector<2048x512xf32>
    %convert_element_type3A = arith.truncf %get3A_1 : vector<2048x512xf32> to vector<2048x512xbf16>
    %get3A_2 = arith.constant 0 : index
    %get3A_3 = arith.constant 0 : index
    %get3A_4 = vector.load %arg2[%get3A_2, %get3A_3] : memref<512x192xbf16, #tpu.memory_space<vmem>>, vector<512x192xbf16>
    %dot_general3A = arith.constant dense<0.000000e+00> : vector<2048x192xf32>
    %dot_general3A_5 = tpu.matmul %convert_element_type3A, %get3A_4, %dot_general3A {dimension_numbers = #tpu.dot_dimension_numbers<[1], [0], [0], [1], [0, 0, 1, 1], [], []>, transpose_lhs_hint = false} : vector<2048x512xbf16>, vector<512x192xbf16>, vector<2048x192xf32> -> vector<2048x192xf32>
    %get3A_6 = arith.constant 0 : index
    %get3A_7 = arith.constant 0 : index
    %get3A_8 = vector.load %arg3[%get3A_6, %get3A_7] : memref<1x192xf32, #tpu.memory_space<vmem>>, vector<1x192xf32>
    %add3A = vector.broadcast %get3A_8 : vector<1x192xf32> to vector<2048x192xf32>
    %add3A_9 = arith.addf %dot_general3A_5, %add3A : vector<2048x192xf32>
    %convert_element_type3A_10 = arith.truncf %add3A_9 : vector<2048x192xf32> to vector<2048x192xbf16>
    %get3A_11 = arith.constant 0 : index
    %get3A_12 = arith.constant 0 : index
    %get3A_13 = vector.load %arg4[%get3A_11, %get3A_12] : memref<192x1024xbf16, #tpu.memory_space<vmem>>, vector<192x1024xbf16>
    %dot_general3A_14 = arith.constant dense<0.000000e+00> : vector<2048x1024xf32>
    %dot_general3A_15 = tpu.matmul %convert_element_type3A_10, %get3A_13, %dot_general3A_14 {dimension_numbers = #tpu.dot_dimension_numbers<[1], [0], [0], [1], [0, 0, 1, 1], [], []>, transpose_lhs_hint = false} : vector<2048x192xbf16>, vector<192x1024xbf16>, vector<2048x1024xf32> -> vector<2048x1024xf32>
    %slice3A = vector.extract_strided_slice %dot_general3A_15 {offsets = [0, 0], sizes = [2048, 144], strides = [1, 1]} : vector<2048x1024xf32> to vector<2048x144xf32>
    %slice3A_16 = vector.extract_strided_slice %dot_general3A_15 {offsets = [0, 256], sizes = [2048, 144], strides = [1, 1]} : vector<2048x1024xf32> to vector<2048x144xf32>
    %max3A = arith.maximumf %slice3A, %slice3A_16 : vector<2048x144xf32>
    %slice3A_17 = vector.extract_strided_slice %dot_general3A_15 {offsets = [0, 512], sizes = [2048, 144], strides = [1, 1]} : vector<2048x1024xf32> to vector<2048x144xf32>
    %slice3A_18 = vector.extract_strided_slice %dot_general3A_15 {offsets = [0, 768], sizes = [2048, 144], strides = [1, 1]} : vector<2048x1024xf32> to vector<2048x144xf32>
    %max3A_19 = arith.maximumf %slice3A_17, %slice3A_18 : vector<2048x144xf32>
    %max3A_20 = arith.maximumf %max3A, %max3A_19 : vector<2048x144xf32>
    %get3A_21 = arith.constant 0 : index
    %get3A_22 = arith.constant 0 : index
    %get3A_23 = vector.load %arg5[%get3A_21, %get3A_22] : memref<1x144xf32, #tpu.memory_space<vmem>>, vector<1x144xf32>
    %add3A_24 = vector.broadcast %get3A_23 : vector<1x144xf32> to vector<2048x144xf32>
    %add3A_25 = arith.addf %max3A_20, %add3A_24 : vector<2048x144xf32>
    %max3A_26 = arith.constant 0.000000e+00 : f32
    %max3A_27 = vector.broadcast %max3A_26 : f32 to vector<2048x144xf32>
    %max3A_28 = arith.maximumf %add3A_25, %max3A_27 : vector<2048x144xf32>
    %convert_element_type3A_29 = arith.truncf %max3A_28 : vector<2048x144xf32> to vector<2048x144xbf16>
    %get3A_30 = arith.constant 0 : index
    %get3A_31 = arith.constant 0 : index
    %get3A_32 = vector.load %arg6[%get3A_30, %get3A_31] : memref<144x128xbf16, #tpu.memory_space<vmem>>, vector<144x128xbf16>
    %dot_general3A_33 = arith.constant dense<0.000000e+00> : vector<2048x128xf32>
    %dot_general3A_34 = tpu.matmul %convert_element_type3A_29, %get3A_32, %dot_general3A_33 {dimension_numbers = #tpu.dot_dimension_numbers<[1], [0], [0], [1], [0, 0, 1, 1], [], []>, transpose_lhs_hint = false} : vector<2048x144xbf16>, vector<144x128xbf16>, vector<2048x128xf32> -> vector<2048x128xf32>
    %get3A_35 = arith.constant 0 : index
    %get3A_36 = arith.constant 0 : index
    %get3A_37 = vector.load %arg7[%get3A_35, %get3A_36] : memref<1x128xf32, #tpu.memory_space<vmem>>, vector<1x128xf32>
    %add3A_38 = vector.broadcast %get3A_37 : vector<1x128xf32> to vector<2048x128xf32>
    %add3A_39 = arith.addf %dot_general3A_34, %add3A_38 : vector<2048x128xf32>
    %max3A_40 = arith.constant 0.000000e+00 : f32
    %max3A_41 = vector.broadcast %max3A_40 : f32 to vector<2048x128xf32>
    %max3A_42 = arith.maximumf %add3A_39, %max3A_41 : vector<2048x128xf32>
    %convert_element_type3A_43 = arith.truncf %max3A_42 : vector<2048x128xf32> to vector<2048x128xbf16>
    %get3A_44 = arith.constant 0 : index
    %get3A_45 = arith.constant 0 : index
    %get3A_46 = vector.load %arg8[%get3A_44, %get3A_45] : memref<128x64xbf16, #tpu.memory_space<vmem>>, vector<128x64xbf16>
    %dot_general3A_47 = arith.constant dense<0.000000e+00> : vector<2048x64xf32>
    %dot_general3A_48 = tpu.matmul %convert_element_type3A_43, %get3A_46, %dot_general3A_47 {dimension_numbers = #tpu.dot_dimension_numbers<[1], [0], [0], [1], [0, 0, 1, 1], [], []>, transpose_lhs_hint = false} : vector<2048x128xbf16>, vector<128x64xbf16>, vector<2048x64xf32> -> vector<2048x64xf32>
    %get3A_49 = arith.constant 0 : index
    %get3A_50 = arith.constant 0 : index
    %get3A_51 = vector.load %arg9[%get3A_49, %get3A_50] : memref<1x64xf32, #tpu.memory_space<vmem>>, vector<1x64xf32>
    %add3A_52 = vector.broadcast %get3A_51 : vector<1x64xf32> to vector<2048x64xf32>
    %add3A_53 = arith.addf %dot_general3A_48, %add3A_52 : vector<2048x64xf32>
    %max3A_54 = arith.constant 0.000000e+00 : f32
    %max3A_55 = vector.broadcast %max3A_54 : f32 to vector<2048x64xf32>
    %max3A_56 = arith.maximumf %add3A_53, %max3A_55 : vector<2048x64xf32>
    %swap3A = arith.constant 0 : index
    %swap3A_57 = arith.constant 0 : index
    %swap3A_58 = vector.load %arg10[%swap3A, %swap3A_57] : memref<2048x64xf32, #tpu.memory_space<vmem>>, vector<2048x64xf32>
    tpu.vector_store %arg10[%swap3A, %swap3A_57], %max3A_56 {strides = array<i32>} : memref<2048x64xf32, #tpu.memory_space<vmem>>, vector<2048x64xf32>,
    return
  }
  func.func @transform_0(%arg0: i32) -> (i32, i32) {
    %c0_i32 = arith.constant 0 : i32
    %c0_i32_0 = arith.constant 0 : i32
    return %arg0, %c0_i32 : i32, i32
  }
  func.func @transform_1(%arg0: i32) -> (i32, i32) {
    %c0_i32 = arith.constant 0 : i32
    %c0_i32_0 = arith.constant 0 : i32
    %c0_i32_1 = arith.constant 0 : i32
    return %c0_i32, %c0_i32_0 : i32, i32
  }
  func.func @transform_2(%arg0: i32) -> (i32, i32) {
    %c0_i32 = arith.constant 0 : i32
    %c0_i32_0 = arith.constant 0 : i32
    %c0_i32_1 = arith.constant 0 : i32
    return %c0_i32, %c0_i32_0 : i32, i32
  }
  func.func @transform_3(%arg0: i32) -> (i32, i32) {
    %c0_i32 = arith.constant 0 : i32
    %c0_i32_0 = arith.constant 0 : i32
    %c0_i32_1 = arith.constant 0 : i32
    return %c0_i32, %c0_i32_0 : i32, i32
  }
  func.func @transform_4(%arg0: i32) -> (i32, i32) {
    %c0_i32 = arith.constant 0 : i32
    %c0_i32_0 = arith.constant 0 : i32
    %c0_i32_1 = arith.constant 0 : i32
    return %c0_i32, %c0_i32_0 : i32, i32
  }
  func.func @transform_5(%arg0: i32) -> (i32, i32) {
    %c0_i32 = arith.constant 0 : i32
    %c0_i32_0 = arith.constant 0 : i32
    %c0_i32_1 = arith.constant 0 : i32
    return %c0_i32, %c0_i32_0 : i32, i32
  }
  func.func @transform_6(%arg0: i32) -> (i32, i32) {
    %c0_i32 = arith.constant 0 : i32
    %c0_i32_0 = arith.constant 0 : i32
    %c0_i32_1 = arith.constant 0 : i32
    return %c0_i32, %c0_i32_0 : i32, i32
  }
  func.func @transform_7(%arg0: i32) -> (i32, i32) {
    %c0_i32 = arith.constant 0 : i32
    %c0_i32_0 = arith.constant 0 : i32
    %c0_i32_1 = arith.constant 0 : i32
    return %c0_i32, %c0_i32_0 : i32, i32
  }
  func.func @transform_8(%arg0: i32) -> (i32, i32) {
    %c0_i32 = arith.constant 0 : i32
    %c0_i32_0 = arith.constant 0 : i32
    %c0_i32_1 = arith.constant 0 : i32
    return %c0_i32, %c0_i32_0 : i32, i32
  }
  func.func @transform_9(%arg0: i32) -> (i32, i32) {
    %c0_i32 = arith.constant 0 : i32
    %c0_i32_0 = arith.constant 0 : i32
    return %arg0, %c0_i32 : i32, i32
  }
}

</mosaic_0001>

<sc_bundles>
// kernel: gather_offload_async_start
scs
__scs_entry_jumppad:
0x0: {  	(pc) =	sbr.rel $0x88, $3  }
0x1: {  	(tag) =	ssettag $0x0;
	lr =	simm.s32 $0x1  }
0x2: {  	[smem:$0x3F98] =	sst lr;
	_ =	strace $0xD0000000  }
0x3: {  	_ = 	snop  }
0x4: {  	_ = 	snop  }
0x5: {  	_ = 	snop  }
0x6: {  	_ = 	snop  }
0x7: {  	_ = 	snop  }
__scs_overlays_trampoline_lowered:
0x8: {  	[smem:$0x3FA7] =	sst s0  }
0x9: {  	[smem:$0x3FA8] =	sst s1  }
0xa: {  	[smem:$0x3FA9] =	sst s2  }
0xb: {  	[smem:$0x3FAA] =	sst s3  }
0xc: {  	[smem:$0x3FAB] =	sst s4  }
0xd: {  	[smem:$0x3FAC] =	sst s5  }
0xe: {  	[smem:$0x3FAD] =	sst s6  }
0xf: {  	[smem:$0x3FAE] =	sst s7  }
0x10: {  	[smem:$0x3FAF] =	sst s8  }
0x11: {  	[smem:$0x3FB0] =	sst s9;
	s0 =	simm.s32 @!p0 $0x0  }
0x12: {  	s1 =	sld [smem:$0x3F96];
	s0 =	simm.s32 @p0 $0x1  }
0x13: {  	[smem:$0x3FB1] =	sst s0;
	s0 =	simm.s32 @!p1 $0x0  }
0x14: {  	s2 =	sld [smem:$0x3F95];
	s0 =	simm.s32 @p1 $0x1  }
0x15: {  	[smem:$0x3FB2] =	sst s0;
	s0 =	simm.s32 @!p2 $0x0  }
0x16: {  	s3 =	sld [smem:$0x3FDB];
	s0 =	simm.s32 @p2 $0x1  }
0x17: {  	s4 =	simm.s32 $0x1BF5;
	[smem:$0x3FB4] =	sst s0  }
0x18: {  	s0 =	sld [smem:$0x3F97];
	_ =	swait.ge [sflag:s4], $0x0  }
0x19: {  	s7 =	sld [smem:$0x3F98]  }
0x1a: {  	s8 =	sadd.s32 $0xFFFFE003, lr  }
0x1b: {  	s9 =	sadd.s32 $0xFFFFFEF7, lr;
	s5 =	simm.s32 $0xFFFFFFFF;
	p2 =	slt.u32 s8, $0xFFFFF086  }
0x1c: {  	p1 =	slt.u32 s9, $0xF7A;
	s5 =	simm.s32 @!p2 $0x0  }
0x1d: {  	s5 =	simm.s32 @p1 $0x1;
	p0 =	seq.s32 s7, s2  }
0x1e: {  	s7 =	smul.u32 @!p0 $0xF7A, s2;
	p2 =	seq.s32 @!p0 s5, $0x0  }
0x1f: {  	s9 =	smul.u32 $0xF7A, s1;
	s8 =	simm.s32 @!p0 $0x1BF5;
	p2 =	por !p2, p0  }
0x20: {  	[sflag:s8] =	ssyncset.s32 @!p0 $0xFFFFF086;
	s6 =	sadd.s32 @!p0 s3, s7;
	s7 =	simm.s32 @!p0 $0x108  }
0x21: {  	s3 =	sadd.s32 s3, s9;
	s6 =	sadd.s32 @!p0 $0x88, s6;
	s7 =	simm.s32 @p2 $0x1082  }
0x22: {  	[simem:s7], [sflag:s8] =	dma.local @!p0 [hbm:s6], $0xF7A  }
0x23: {  	s9 =	sor.u32 $0xD0000000, s2;
	s6 =	simm.s32 $0x108;
	_ =	swait.ge @!p0 [sflag:s8], $0x0  }
0x24: {  	s3 =	sadd.s32 $0x88, s3;
	s6 =	simm.s32 @!p1 $0x1082;
	[sflag:s4] =	ssyncset.s32 $0xFFFFF086  }
0x25: {  	[simem:s6], [sflag:s4] =	dma.local [hbm:s3], $0xF7A  }
0x26: {  	[smem:$0x3F98] =	sst s1;
	(tag) =	ssettag s2;
	_ =	strace s9  }
0x27: {  	s1 =	sld [smem:$0x3FA8]  }
0x28: {  	s2 =	sld [smem:$0x3FA9]  }
0x29: {  	s4 =	sld [smem:$0x3FAB]  }
0x2a: {  	p0 =	seq.s32 s5, $0x0;
	s5 =	sld [smem:$0x3FAC]  }
0x2b: {  	s6 =	sld [smem:$0x3FAD]  }
0x2c: {  	s7 =	sld [smem:$0x3FAE]  }
0x2d: {  	s3 =	simm.s32 $0x108;
	s8 =	sld [smem:$0x3FAF]  }
0x2e: {  	s3 =	simm.s32 @!p0 $0x1082;
	s9 =	sld [smem:$0x3FB0]  }
0x2f: {  	lr =	sadd.s32 s0, s3;
	s0 =	sld [smem:$0x3FA7]  }
0x30: {  	s3 =	sld [smem:$0x3FAA]  }
0x31: {  	[smem:$0x3FB3] =	sst s10  }
0x32: {  	s10 =	sld [smem:$0x3FB1];
	_ =	sdelay $0x3  }
0x33: {  	p0 =	seq.s32 s10, $0x1;
	s10 =	sld [smem:$0x3FB3];
	_ =	sdelay $0x3  }
0x34: {  	[smem:$0x3FB3] =	sst s10  }
0x35: {  	s10 =	sld [smem:$0x3FB2];
	_ =	sdelay $0x3  }
0x36: {  	p1 =	seq.s32 s10, $0x1;
	s10 =	sld [smem:$0x3FB3];
	_ =	sdelay $0x3  }
0x37: {  	[smem:$0x3FB3] =	sst s10  }
0x38: {  	s10 =	sld [smem:$0x3FB4]  }
0x39: {  	_ = 	snop;
	(pc) =	sbr.ind lr, $3  }
0x3a: {  	_ = 	snop  }
0x3b: {  	_ = 	snop  }
0x3c: {  	p2 =	seq.s32 s10, $0x1;
	s10 =	sld [smem:$0x3FB3]  }
0x3d: {  	_ =	shalt  }
0x3e: {  	_ =	shalt  }
0x3f: {  	_ =	shalt  }
0x40: {  	_ =	shalt  }
0x41: {  	_ =	shalt  }
0x42: {  	_ =	shalt  }
0x43: {  	_ =	shalt  }
0x44: {  	_ =	shalt  }
0x45: {  	_ =	shalt  }
0x46: {  	_ =	shalt  }
0x47: {  	_ =	shalt  }
0x48: {  	_ =	shalt  }
0x49: {  	_ =	shalt  }
0x4a: {  	_ =	shalt  }
0x4b: {  	_ =	shalt  }
0x4c: {  	_ =	shalt  }
0x4d: {  	_ =	shalt  }
0x4e: {  	_ =	shalt  }
0x4f: {  	_ =	shalt  }
0x50: {  	_ =	shalt  }
0x51: {  	_ =	shalt  }
0x52: {  	_ =	shalt  }
0x53: {  	_ =	shalt  }
0x54: {  	_ =	shalt  }
0x55: {  	_ =	shalt  }
0x56: {  	_ =	shalt  }
0x57: {  	_ =	shalt  }
0x58: {  	_ =	shalt  }
0x59: {  	_ =	shalt  }
0x5a: {  	_ =	shalt  }
0x5b: {  	_ =	shalt  }
0x5c: {  	_ =	shalt  }
0x5d: {  	_ =	shalt  }
0x5e: {  	_ =	shalt  }
0x5f: {  	_ =	shalt  }
0x60: {  	_ =	shalt  }
0x61: {  	_ =	shalt  }
0x62: {  	_ =	shalt  }
0x63: {  	_ =	shalt  }
0x64: {  	_ =	shalt  }
0x65: {  	_ =	shalt  }
0x66: {  	_ =	shalt  }
0x67: {  	_ =	shalt  }
0x68: {  	_ =	shalt  }
0x69: {  	_ =	shalt  }
0x6a: {  	_ =	shalt  }
0x6b: {  	_ =	shalt  }
0x6c: {  	_ =	shalt  }
0x6d: {  	_ =	shalt  }
0x6e: {  	_ =	shalt  }
0x6f: {  	_ =	shalt  }
0x70: {  	_ =	shalt  }
0x71: {  	_ =	shalt  }
0x72: {  	_ =	shalt  }
0x73: {  	_ =	shalt  }
0x74: {  	_ =	shalt  }
0x75: {  	_ =	shalt  }
0x76: {  	_ =	shalt  }
0x77: {  	_ =	shalt  }
0x78: {  	_ =	shalt  }
0x79: {  	_ =	shalt  }
0x7a: {  	_ =	shalt  }
0x7b: {  	_ =	shalt  }
0x7c: {  	_ =	shalt  }
0x7d: {  	_ =	shalt  }
0x7e: {  	_ =	shalt  }
0x7f: {  	_ =	shalt  }
0x80: {  	_ =	shalt  }
0x81: {  	_ =	shalt  }
0x82: {  	_ =	shalt  }
0x83: {  	_ =	shalt  }
0x84: {  	_ =	shalt  }
0x85: {  	_ =	shalt  }
0x86: {  	_ =	shalt  }
0x87: {  	_ =	shalt  }
.Lfunc_end0:
.L_simem_size_0:
called_computation_lowered:
.L_overlay_start_0:
0x88: {  	s2 =	sld [smem:$0x3FD9]  }
0x89: {  	s3 =	sld [smem:$0x3FFE];
	_ =	sdelay $0x1  }
0x8a: {  	s1 =	srdreg.scid  }
0x8b: {  	s0 =	sand.u32 $0x1, s1  }
0x8c: {  	s16 =	sshll.u32 s0, $0xA;
	s2 =	sadd.s32 s3, s2  }
0x8d: {  	s2 =	sadd.s32 s2, s16  }
0x8e: {  	[smem:$0x3FBF] =	sst s2  }
0x8f: {  	_ = 	snop  }
0x90: {  	(tm) =	ssettm $0x1  }
0x91: {  	s17 =	sld [smem:$0x3FFB];
	_ =	sdelay $0x3  }
0x92: {  	_ =	strace s17  }
0x93: {  	s2 =	sld [smem:$0x3FFC];
	_ =	sdelay $0x3  }
0x94: {  	_ =	strace s2  }
0x95: {  	s2 =	sld [smem:$0x3FFD];
	_ =	sdelay $0x3  }
0x96: {  	_ =	strace s2  }
0x97: {  	_ =	strace $0x8FFFFFFF  }
0x98: {  	s18 =	sld [smem:$0x3FDB];
	_ =	sdelay $0x1  }
0x99: {  	s19 =	simm.s32 $_scs_section_size  }
0x9a: {  	s4 =	simm.s32 $_size__tile_overlayer_lowered;
	s5 =	simm.s32 $_tile_overlayer_lowered  }
0x9b: {  	s22 =	simm.s32 $0x1BFF;
	s21 =	sshll.u32 s5, $0x1;
	s2 =	sadd.s32 s19, s18  }
0x9c: {  	s6 =	simm.s32 $0x0;
	s20 =	sshll.u32 s4, $0x1;
	s4 =	sadd.s32 s21, s2  }
0x9d: {  	[timem:s6], [sflag:s22] =	dma.local [hbm:s4], s20  }
0x9e: {  	_ =	swait.ge [sflag:s22], s20  }
0x9f: {  	s3 =	ssub.s32 $0x0, s20;
	[sflag:s22] =	ssyncset.done $0x0  }
0xa0: {  	[sflag:s22] =	ssyncadd.s32 s3;
	_ =	sdelay $0x1  }
0xa1: {  	s23 =	simm.s32 $0x1B8B  }
0xa2: {  	_ =	swait.ge [sflag:s23], $0x1  }
0xa3: {  	[sflag:s23] =	ssyncset.done $0x0  }
0xa4: {  	s25 =	simm.s32 $0x1B8E;
	s24 =	sld [smem:$0x3FFE];
	[sflag:s23] =	ssyncadd.s32 $0xFFFFFFFF  }
0xa5: {  	s26 =	simm.s32 $execute0_lowered;
	[smem:$0x3FD2] =	sst s25  }
0xa6: {  	s4 =	sshll.u32 s26, $0x1;
	_ =	strace $0x80000046;
	[dreg:$0x1] =	wrdreg $0xFFFFFFFF  }
0xa7: {  	s28 =	simm.s32 $_size_execute0_lowered;
	s2 =	sadd.s32 s2, s4;
	[dreg:$0x0] =	wrdreg $0x0  }
0xa8: {  	s4 =	sshll.u32 s28, $0x1;
	[dreg:$0x2] =	wrdreg s2  }
0xa9: {  	[dreg:$0x3] =	wrdreg s4  }
0xaa: {  	[dreg:$0x4] =	wrdreg $0xC0  }
0xab: {  	_ =	task [dreg:s6], $0x5FFFF  }
0xac: {  	[dreg:$0x1] =	wrdreg $0xFFFFFFFF  }
0xad: {  	[dreg:$0x0] =	wrdreg $0x60  }
0xae: {  	[dreg:$0x2] =	wrdreg s24  }
0xaf: {  	[dreg:$0x3] =	wrdreg $0x9  }
0xb0: {  	_ =	task.clear_ibuf [dreg:s6], $0x4FFFF;
	_ =	strace $0x90000046  }
0xb1: {  	s29 =	simm.s32 $0x9;
	_ =	strace $0x80000048  }
0xb2: {  	_ =	swait.ge [sflag:s29], $0x1  }
0xb3: {  	[sflag:s29] =	ssyncadd.s32 $0xFFFFFFFF  }
0xb4: {  	_ =	strace $0x90000048  }
0xb5: {  	_ =	sfence  }
0xb6: {  	s30 =	sld [smem:$0x0];
	_ =	sdelay $0x2  }
0xb7: {  	s31 =	sshll.u32 s1, $0xD;
	s1 =	sshrl.u32 s1, $0x2  }
0xb8: {  	s3 =	sand.u32 $0x4000, s31;
	s1 =	sadd.s32 s1, s30  }
0xb9: {  	s0 =	sor.u32 s3, s0;
	s1 =	sshll.u32 s1, $0x11  }
0xba: {  	s0 =	sor.u32 s1, s0  }
0xbb: {  	s0 =	sadd.s32 $0x8F2B, s0  }
0xbc: {  	[sflag:s0] =	ssyncadd.remote.s32 $0x1  }
0xbd: {  	_ =	sfence.sel $0xFFFF  }
0xbe: {  	[dreg:$0x0] =	wrdreg $0xFFFFFFFF;
	(pc) =	sbr.abs _section_cstart, $3  }
0xbf: {  	[dreg:$0x1] =	wrdreg $0xFFFFFFFF  }
0xc0: {  	_ =	task.clear_ibuf [dreg:s6], $0x2FFFF;
	_ =	strace $0x9FFFFFFF  }
0xc1: {  	(tm) =	ssettm $0x7FFFFFFF  }
tec
execute0_lowered:
.L_overlay_start_1:
0x0: {  	(tag) =	ssettag $0x1  }
0x1: {  	s1 =	rddreg [dreg:$0x0]  }
0x2: {  	s0 =	rddreg [dreg:$0x1];
	_ =	strace $0x80000047  }
0x3: {  	s5 =	simm.s32 $0x1;
	s6 =	srdreg.scid;
	s9 =	simm.s32 $0x4  }
0x4: {  	s13 =	simm.s32 $0x0;
	s10 =	simm.s32 $0x0;
	s2 =	sadd.s32 $0x4200, s1  }
0x5: {  	s3 =	sadd.s32 $0x1200, s1;
	s4 =	sadd.s32 $0x1600, s1;
	s31 =	sshll.u32 s6, $0x4  }
.Ltmp0:
0x6: {  	s1 =	stileid.u32;
	s6 =	sand.u32 $0x10, s31;
	(pc) =	sbr.rel .LBB2_1-.Ltmp0, $4  }
0x7: {  	[sflag:s5] =	ssyncpa.u1 $0x0;
	s5 =	simm.s32 $0x2;
	s7 =	sor.u32 s1, s6  }
0x8: {  	[sflag:s5] =	ssyncpa.u1 $0x0;
	s6 =	simm.s32 $0x3;
	s7 =	sshll.u32 s7, $0x8  }
0x9: {  	s11 =	simm.s32 $0x0;
	[sflag:s6] =	ssyncpa.u1 $0x0;
	s8 =	sadd.s32 $0x100, s7  }
0xa: {  	v0 =	vlaneseq.u32;
	vm0 =	vmmov $0xffff;
	[sflag:s9] =	ssyncpa.u1 $0x0;
	s9 =	simm.s32 $0x0;
	s12 =	smov.u32 s7  }
.LBB2_3:
0xb: {  	s13 =	sshrl.u32 s12, $0x3  }
0xc: {  	s14 =	sand.u32 $0x7, s12;
	s13 =	sadd.s32 s3, s13  }
0xd: {  	[tilespmem:s9], [sflag:$0x2] =	stream.linear.gather [hbm4b:s13+s14], $0x100, $0x38;
	[tilespmem:$0x600] =	vst v63  }
.LBB2_8:
0xe: {  	s14 =	sadd.s32 $0x100, s12  }
0xf: {  	s15 =	smov.u32 s7;
	p0 =	slt.s32 s14, s8  }
0x10: {  	s13 =	smov.u32 s10;
	s15 =	smov.u32 @p0 s14  }
0x11: {  	s10 =	smov.u32 s12;
	s11 =	sadd.s32 $0x1, s11;
	s12 =	smov.u32 s15  }
.LBB2_1:
0x12: {  	p0 =	sgt.s32 s11, $0x1  }
.Ltmp1:
0x13: {  	_ = 	snop;
	(pc) =	sbr.rel @p0 .LBB2_9-.Ltmp1, $1  }
0x14: {  	_ =	sdelay $0x3  }
0x15: {  	p0 =	seq.s32 s11, $0x0  }
.Ltmp2:
0x16: {  	_ = 	snop;
	(pc) =	sbr.rel @p0 .LBB2_3-.Ltmp2, $1  }
0x17: {  	_ =	sdelay $0x3  }
0x18: {  	_ =	swait.ge [sflag:s5], $0x100  }
0x19: {  	s14 =	simm.s32 $0x0;
	[sflag:s5] =	ssyncset.done $0x0  }
0x1a: {  	[sflag:s5] =	ssyncadd.s32 $0xFFFFFF00;
	(ifvalue) =	ssetifvalue $0x7FFFFFFF;
	v1 =	vld.msk [tilespmem:s14+$0x0 ss:$0x1], $0xffff  }
0x1b: {  	s15 =	simm.s32 $0x10  }
0x1c: {  	v2 =	vld.msk [tilespmem:s15+$0x0 ss:$0x1], $0xffff;
	_ =	sdelay $0x1  }
0x1d: {  	s13 =	ssub.s32 $0x2000, s10  }
0x1e: {  	p0 =	slt.s32 s13, $0x100;
	vm1 =	vgt.s32 v1, $0x0  }
0x1f: {  	s13 =	simm.s32 @!p0 $0x100;
	v1 =	vnsel vm1, $0x0, v1  }
0x20: {  	p0 =	sgt.s32 s13, $0x0;
	s16 =	smov.u32 s13;
	vm1 =	vgt.s32 v2, $0x0;
	v1 =	vmin.u32 v1, $0x1FFF  }
0x21: {  	s16 =	simm.s32 @!p0 $0x0;
	v2 =	vnsel vm1, $0x0, v2;
	v4 =	vshll.u32 v1, $0x1  }
0x22: {  	s16 =	smin.u32 s16, $0x10;
	v3 =	vshrl.u32 v1, $0x7;
	v1 =	vand.u32 $0x1F00, v1;
	v4 =	vand.u32 $0xFE, v4  }
0x23: {  	v5 =	vmin.u32 v2, $0x1FFF;
	v2 =	vmov s16;
	v1 =	vor.u32 v1, v4  }
0x24: {  	vm1 =	vgt.u32 v2, v0;
	v1 =	vshrl.u32 v1, $0x1  }
0x25: {  	s17 =	sadd.s32 $0xFFFFFFF0, s13;
	v1 =	vnsel vm1, $0x7FFFFFFF, v1  }
0x26: {  	s13 =	simm.s32 $0x20;
	p0 =	sgt.s32 s17, $0x0;
	s19 =	smov.u32 s17;
	v3 =	vand.u32 $0x1, v3  }
0x27: {  	s19 =	simm.s32 @!p0 $0x0;
	v2 =	vld.msk [tilespmem:s13+$0x0 ss:$0x1], $0xffff;
	v4 =	vshrl.u32 v5, $0x7;
	[tilespmem:s14+$0x0] =	vst v3;
	v3 =	vshll.u32 v5, $0x1  }
0x28: {  	s18 =	simm.s32 $0x30;
	s19 =	smin.u32 s19, $0x10;
	s16 =	simm.s32 $0x300;
	v5 =	vand.u32 $0x1F00, v5;
	v4 =	vand.u32 $0x1, v4;
	v6 =	vand.u32 $0xFE, v3  }
0x29: {  	s14 =	simm.s32 $0x30;
	v3 =	vmov s19;
	[tilespmem:s15+$0x0] =	vst v4;
	v4 =	vor.u32 v5, v6;
	(ifvalue) =	ssetifvalue $0x7FFFFFFF;
	s15 =	simm.s32 $0x310  }
.LBB2_5:
0x2a: {  	[tilespmem:s16], [sflag:$0x3] =	stream.indirect_vreg.gather [hbm4b:s2+s9], $0x1, v1, vm0, $0x4038;
	[tilespmem:$0x600] =	vst v63  }
0x2b: {  	s18 =	sadd.s32 $0x10, s18  }
0x2c: {  	vm1 =	vgt.s32 v2, $0x0;
	vm2 =	vgt.u32 v3, v0;
	v3 =	vshrl.u32 v4, $0x1;
	v1 =	vmovc v2;
	v2 =	vld.msk [tilespmem:s14+$0x0 ss:$0x1], $0xffff;
	p0 =	slt.u32 s18, $0xF0  }
.Ltmp3:
0x2d: {  	s17 =	sadd.s32 $0xFFFFFFF0, s17;
	v4 =	vnsel vm1, $0x0, v1;
	v1 =	vnsel vm2, $0x7FFFFFFF, v3;
	(pc) =	sbr.rel @p0 .LBB2_5-.Ltmp3, $4  }
0x2e: {  	s19 =	smov.u32 s13;
	p1 =	sgt.s32 s17, $0x0;
	s20 =	smov.u32 s17;
	v3 =	vmin.u32 v4, $0x1FFF  }
0x2f: {  	s13 =	smov.u32 s14;
	s16 =	smov.u32 s15;
	s20 =	simm.s32 @!p1 $0x0;
	v4 =	vshrl.u32 v3, $0x7;
	v5 =	vshll.u32 v3, $0x1  }
0x30: {  	s20 =	smin.u32 s20, $0x10;
	v6 =	vand.u32 $0x1, v4;
	v4 =	vand.u32 $0x1F00, v3;
	v5 =	vand.u32 $0xFE, v5  }
0x31: {  	s14 =	sadd.s32 $0x10, s14;
	s15 =	sadd.s32 $0x10, s15;
	v3 =	vmov s20;
	v4 =	vor.u32 v4, v5;
	[tilespmem:s19+$0x0] =	vst v6;
	(ifvalue) =	ssetifvalue $0x7FFFFFFF  }
0x32: {  	v5 =	vld.msk [tilespmem:s14+$0x0 ss:$0x1], $0xffff;
	_ =	sdelay $0x1  }
0x33: {  	s17 =	sadd.s32 $0xFFFFFFF0, s17;
	vm1 =	vgt.s32 v2, $0x0  }
0x34: {  	p0 =	sgt.s32 s17, $0x0;
	s18 =	smov.u32 s17;
	v2 =	vnsel vm1, $0x0, v2;
	vm1 =	vgt.u32 v3, v0;
	v3 =	vshrl.u32 v4, $0x1  }
0x35: {  	s18 =	simm.s32 @!p0 $0x0;
	v2 =	vmin.u32 v2, $0x1FFF;
	v3 =	vnsel vm1, $0x7FFFFFFF, v3  }
0x36: {  	s18 =	smin.u32 s18, $0x10;
	v60 =	vshll.u32 v2, $0x1;
	v7 =	vand.u32 $0x1F00, v2;
	vm1 =	vgt.s32 v5, $0x0  }
0x37: {  	s17 =	sadd.s32 $0xFFFFFFF0, s17;
	v2 =	vshrl.u32 v2, $0x7;
	v6 =	vmov s18;
	v5 =	vnsel vm1, $0x0, v5  }
0x38: {  	p0 =	sgt.s32 s17, $0x0;
	v4 =	vand.u32 $0xFE, v60;
	v2 =	vand.u32 $0x1, v2;
	v5 =	vmin.u32 v5, $0x1FFF  }
0x39: {  	s17 =	simm.s32 @!p0 $0x0;
	v4 =	vor.u32 v7, v4;
	vm1 =	vgt.u32 v6, v0;
	v61 =	vshll.u32 v5, $0x1  }
0x3a: {  	s17 =	smin.u32 s17, $0x10;
	v4 =	vshrl.u32 v4, $0x1;
	v62 =	vand.u32 $0x1F00, v5;
	v6 =	vand.u32 $0xFE, v61  }
0x3b: {  	[tilespmem:s16], [sflag:$0x3] =	stream.indirect_vreg.gather [hbm4b:s2+s9], $0x1, v1, vm0, $0x4038;
	v63 =	vmov s17;
	v4 =	vnsel vm1, $0x7FFFFFFF, v4;
	v6 =	vor.u32 v62, v6;
	[tilespmem:$0x600] =	vst v63  }
0x3c: {  	[tilespmem:s13+$0x0] =	vst v2;
	(ifvalue) =	ssetifvalue $0x7FFFFFFF;
	vm1 =	vgt.u32 v63, v0;
	v2 =	vshrl.u32 v6, $0x1  }
0x3d: {  	[tilespmem:s15], [sflag:$0x3] =	stream.indirect_vreg.gather [hbm4b:s2+s9], $0x1, v3, vm0, $0x4038;
	v1 =	vshrl.u32 v5, $0x7;
	v2 =	vnsel vm1, $0x7FFFFFFF, v2;
	[tilespmem:$0x600] =	vst v63  }
.Ltmp4:
0x3e: {  	v1 =	vand.u32 $0x1, v1;
	(pc) =	sbr.rel .LBB2_8-.Ltmp4, $4  }
0x3f: {  	s31 =	sadd.s32 $0x10, s15;
	[tilespmem:s14+$0x0] =	vst v1;
	(ifvalue) =	ssetifvalue $0x7FFFFFFF  }
0x40: {  	[tilespmem:s31], [sflag:$0x3] =	stream.indirect_vreg.gather [hbm4b:s2+s9], $0x1, v4, vm0, $0x4038;
	[tilespmem:$0x600] =	vst v63  }
0x41: {  	s13 =	sadd.s32 $0x10, s31;
	(ifvalue) =	ssetifvalue $0x7FFFFFFF  }
0x42: {  	[tilespmem:s13], [sflag:$0x3] =	stream.indirect_vreg.gather [hbm4b:s2+s9], $0x1, v2, vm0, $0x4038;
	[tilespmem:$0x600] =	vst v63  }
.LBB2_9:
0x43: {  	p0 =	seq.s32 s11, $0x2  }
.Ltmp5:
0x44: {  	_ = 	snop;
	(pc) =	sbr.rel @!p0 .LBB2_10-.Ltmp5, $1  }
0x45: {  	_ =	sdelay $0x3  }
0x46: {  	_ =	swait.ge [sflag:s6], $0x100  }
0x47: {  	s15 =	sand.u32 $0x1, s11;
	[sflag:s6] =	ssyncset.done $0x0  }
0x48: {  	s16 =	sshll.u32 s11, $0xA;
	s14 =	sshll.u32 s15, $0x8;
	[sflag:s6] =	ssyncadd.s32 $0xFFFFFF00  }
0x49: {  	s16 =	sshra.s32 s16, $0x2;
	v1 =	vld [tilespmem:s14+$0x300]  }
0x4a: {  	v2 =	vld [tilespmem:s16+$0xFFFFFE00]  }
0x4b: {  	v3 =	vld [tilespmem:s16+$0xFFFFFE80]  }
0x4c: {  	v4 =	vld [tilespmem:s14+$0x380];
	_ =	sdelay $0x3  }
0x4d: {  	v2 =	vshll.u32 v2, $0x4;
	v3 =	vshll.u32 v3, $0x4  }
0x4e: {  	v1 =	vshrl.u32 v1, v2;
	v2 =	vshrl.u32 v4, v3  }
0x4f: {  	v1 =	vand.u32 $0xFFFF, v1;
	v2 =	vshll.u32 v2, $0x10  }
0x50: {  	s15 =	sshll.u32 s15, $0x7;
	v1 =	vor.u32 v1, v2  }
0x51: {  	[tilespmem:s15+$0x500] =	vst v1  }
0x52: {  	v1 =	vld [tilespmem:s14+$0x310]  }
0x53: {  	v2 =	vld [tilespmem:s16+$0xFFFFFE10]  }
0x54: {  	v3 =	vld [tilespmem:s16+$0xFFFFFE90]  }
0x55: {  	v57 =	vld [tilespmem:s14+$0x390];
	_ =	sdelay $0x3  }
0x56: {  	v2 =	vshll.u32 v2, $0x4;
	v3 =	vshll.u32 v3, $0x4  }
0x57: {  	v1 =	vshrl.u32 v1, v2;
	v2 =	vshrl.u32 v57, v3  }
0x58: {  	v1 =	vand.u32 $0xFFFF, v1;
	v2 =	vshll.u32 v2, $0x10  }
0x59: {  	v1 =	vor.u32 v1, v2  }
0x5a: {  	[tilespmem:s15+$0x510] =	vst v1  }
0x5b: {  	v1 =	vld [tilespmem:s14+$0x320]  }
0x5c: {  	v2 =	vld [tilespmem:s16+$0xFFFFFE20]  }
0x5d: {  	v3 =	vld [tilespmem:s16+$0xFFFFFEA0]  }
0x5e: {  	v58 =	vld [tilespmem:s14+$0x3A0];
	_ =	sdelay $0x3  }
0x5f: {  	v2 =	vshll.u32 v2, $0x4;
	v3 =	vshll.u32 v3, $0x4  }
0x60: {  	v1 =	vshrl.u32 v1, v2;
	v2 =	vshrl.u32 v58, v3  }
0x61: {  	v1 =	vand.u32 $0xFFFF, v1;
	v2 =	vshll.u32 v2, $0x10  }
0x62: {  	v1 =	vor.u32 v1, v2  }
0x63: {  	[tilespmem:s15+$0x520] =	vst v1  }
0x64: {  	v1 =	vld [tilespmem:s14+$0x330]  }
0x65: {  	v2 =	vld [tilespmem:s16+$0xFFFFFE30]  }
0x66: {  	v3 =	vld [tilespmem:s16+$0xFFFFFEB0]  }
0x67: {  	v59 =	vld [tilespmem:s14+$0x3B0];
	_ =	sdelay $0x3  }
0x68: {  	v2 =	vshll.u32 v2, $0x4;
	v3 =	vshll.u32 v3, $0x4  }
0x69: {  	v1 =	vshrl.u32 v1, v2;
	v2 =	vshrl.u32 v59, v3  }
0x6a: {  	v1 =	vand.u32 $0xFFFF, v1;
	v2 =	vshll.u32 v2, $0x10  }
0x6b: {  	v1 =	vor.u32 v1, v2  }
0x6c: {  	[tilespmem:s15+$0x530] =	vst v1  }
0x6d: {  	v1 =	vld [tilespmem:s14+$0x340]  }
0x6e: {  	v2 =	vld [tilespmem:s16+$0xFFFFFE40]  }
0x6f: {  	v3 =	vld [tilespmem:s16+$0xFFFFFEC0]  }
0x70: {  	v60 =	vld [tilespmem:s14+$0x3C0];
	_ =	sdelay $0x3  }
0x71: {  	v2 =	vshll.u32 v2, $0x4;
	v3 =	vshll.u32 v3, $0x4  }
0x72: {  	v1 =	vshrl.u32 v1, v2;
	v2 =	vshrl.u32 v60, v3  }
0x73: {  	v1 =	vand.u32 $0xFFFF, v1;
	v2 =	vshll.u32 v2, $0x10  }
0x74: {  	v1 =	vor.u32 v1, v2  }
0x75: {  	[tilespmem:s15+$0x540] =	vst v1  }
0x76: {  	v1 =	vld [tilespmem:s14+$0x350]  }
0x77: {  	v2 =	vld [tilespmem:s16+$0xFFFFFE50]  }
0x78: {  	v3 =	vld [tilespmem:s16+$0xFFFFFED0]  }
0x79: {  	v61 =	vld [tilespmem:s14+$0x3D0];
	_ =	sdelay $0x3  }
0x7a: {  	v2 =	vshll.u32 v2, $0x4;
	v3 =	vshll.u32 v3, $0x4  }
0x7b: {  	v1 =	vshrl.u32 v1, v2;
	v2 =	vshrl.u32 v61, v3  }
0x7c: {  	v1 =	vand.u32 $0xFFFF, v1;
	v2 =	vshll.u32 v2, $0x10  }
0x7d: {  	v1 =	vor.u32 v1, v2  }
0x7e: {  	[tilespmem:s15+$0x550] =	vst v1  }
0x7f: {  	v1 =	vld [tilespmem:s14+$0x360]  }
0x80: {  	v2 =	vld [tilespmem:s16+$0xFFFFFE60]  }
0x81: {  	v3 =	vld [tilespmem:s16+$0xFFFFFEE0]  }
0x82: {  	v62 =	vld [tilespmem:s14+$0x3E0];
	_ =	sdelay $0x3  }
0x83: {  	v2 =	vshll.u32 v2, $0x4;
	v3 =	vshll.u32 v3, $0x4  }
0x84: {  	v1 =	vshrl.u32 v1, v2;
	v2 =	vshrl.u32 v62, v3  }
0x85: {  	v1 =	vand.u32 $0xFFFF, v1;
	v2 =	vshll.u32 v2, $0x10  }
0x86: {  	v1 =	vor.u32 v1, v2  }
0x87: {  	[tilespmem:s15+$0x560] =	vst v1  }
0x88: {  	v1 =	vld [tilespmem:s14+$0x370]  }
0x89: {  	v2 =	vld [tilespmem:s16+$0xFFFFFE70]  }
0x8a: {  	v3 =	vld [tilespmem:s16+$0xFFFFFEF0]  }
0x8b: {  	v63 =	vld [tilespmem:s14+$0x3F0];
	_ =	sdelay $0x3  }
0x8c: {  	v2 =	vshll.u32 v2, $0x4;
	v3 =	vshll.u32 v3, $0x4  }
.Ltmp6:
0x8d: {  	v1 =	vshrl.u32 v1, v2;
	v2 =	vshrl.u32 v63, v3;
	(pc) =	sbr.rel .LBB2_8-.Ltmp6, $4  }
0x8e: {  	v1 =	vand.u32 $0xFFFF, v1;
	v2 =	vshll.u32 v2, $0x10  }
0x8f: {  	s29 =	sshrl.u32 s13, $0x1;
	s30 =	sshrl.u32 s13, $0x4;
	v1 =	vor.u32 v1, v2  }
0x90: {  	s13 =	sadd.s32 s4, s30;
	s31 =	sor.u32 $0x500, s15;
	s14 =	sand.u32 $0x7, s29;
	[tilespmem:s15+$0x570] =	vst v1  }
0x91: {  	[hbm4b:s13+s14] =	stream.linear.scatter [tilespmem:s31], [sflag:$0x4], $0x80, $0x38;
	[tilespmem:$0x600] =	vst v63  }
.LBB2_10:
0x92: {  	s2 =	simm.s32 $0x4  }
0x93: {  	_ =	swait.ge [sflag:s2], $0x80  }
0x94: {  	[sflag:s2] =	ssyncset.done $0x0  }
0x95: {  	[sflag:s2] =	ssyncadd.s32 $0xFFFFFF80  }
0x96: {  	_ =	sfence.sel $0x180000  }
0x97: {  	s3 =	simm.s32 $0x2;
	[bflag:$0x0] =	sbarrier.arrive $0xFFFF  }
0x98: {  	s30 =	simm.s32 $0x3;
	[sflag:s3] =	ssyncpa.u1 $0x1  }
0x99: {  	[sflag:s30] =	ssyncpa.u1 $0x1  }
0x9a: {  	s31 =	simm.s32 $0x1;
	[sflag:s2] =	ssyncpa.u1 $0x1  }
0x9b: {  	[sflag:s31] =	ssyncpa.u1 $0x1  }
0x9c: {  	p0 =	sne.s32 s1, $0x0;
	_ =	strace $0x90000047  }
0x9d: {  	s0 =	sadd.s32 @!p0 $0x100000, s0;
	[bflag:$0x2] =	sbarrier.arrive $0xFFFF  }
0x9e: {  	[sflag:s0] =	ssyncadd.tile.s32 @!p0 $0x1;
	_ =	shalt  }
.Lfunc_end2:
_tile_overlayer_lowered:
.L_overlay_start_2:
0x9f: {  	(tag) =	ssettag $0x2  }
0xa0: {  	s0 =	rddreg [dreg:$0x0];
	s2 =	stileid.u32  }
0xa1: {  	s1 =	rddreg [dreg:$0x1];
	p0 =	sne.s32 s2, $0x0  }
0xa2: {  	s3 =	rddreg [dreg:$0x2];
	[bflag:$0x3] =	sbarrier.arrive $0xFFFF;
	s2 =	simm.s32 @!p0 $0x1C01  }
0xa3: {  	[timem:s3], [sflag:s2] =	dma.local @!p0 [hbm:s0], s1  }
0xa4: {  	s0 =	simm.s32 @!p0 $0x1  }
0xa5: {  	_ =	swait.ge @!p0 [sflag:s0], s1  }
0xa6: {  	s1 =	ssub.s32 @!p0 $0x0, s1;
	[sflag:s0] =	ssyncset.done @!p0 $0x0  }
0xa7: {  	[sflag:s0] =	ssyncadd.s32 @!p0 s1  }
0xa8: {  	[bflag:$0x3] =	sbarrier.arrive $0xFFFF  }
0xa9: {  	_ =	shalt  }

</sc_bundles>
